<compile_context>
chip_gen: v7x
topology: tpu7x:2x2x1
jax: 0.10.2.dev20260603
libtpu: 0.0.44.dev20260713+nightly
codegen_flags: <defaults>
</compile_context>

<pallas_src>
import functools

import jax
import jax.numpy as jnp
from jax.experimental import pallas as pl
from jax.experimental.pallas import tpu as pltpu
from jax.experimental.pallas import tpu_sc as plsc

VPAD = 8


def _species_sc(species32, cat_emb):
    B = species32.shape[0]
    D = cat_emb.shape[1]
    mesh = plsc.VectorSubcoreMesh(
        core_axis_name="c", subcore_axis_name="s", num_cores=1
    )

    @functools.partial(
        pl.kernel,
        out_type=jax.ShapeDtypeStruct((B, D), jnp.float32),
        mesh=mesh,
        scratch_types=[
            pltpu.VMEM((B,), jnp.int32),
            pltpu.VMEM((B, D), jnp.float32),
            pltpu.SemaphoreType.DMA,
        ],
    )
    def run(species_hbm, cat_hbm, out_hbm, idx_v, rows_v, sem):
        first = jnp.logical_and(
            jax.lax.axis_index("c") == 0, jax.lax.axis_index("s") == 0
        )

        @pl.when(first)
        def _():
            pltpu.sync_copy(species_hbm, idx_v)
            pltpu.async_copy(cat_hbm.at[idx_v], rows_v, sem).wait()
            pltpu.sync_copy(rows_v, out_hbm)

    return run(species32, cat_emb)


def _body(spe_idx_ref, seqs_ref, vocab_ref, cat_ref, pos_ref, out_ref):
    idx = seqs_ref[0, 0, :]
    n = idx.shape[0]
    iota = jax.lax.broadcasted_iota(jnp.int32, (n, VPAD), 1)
    oh = (idx[:, None] == iota).astype(jnp.float32)
    seq_emb = jnp.dot(oh, vocab_ref[...], preferred_element_type=jnp.float32)
    out_ref[...] = (seq_emb + cat_ref[0] + pos_ref[...])[None]


def kernel(seqs, species, vocab_emb, cat_emb, pos_emb):
    B, S = seqs.shape
    V, D = vocab_emb.shape

    seqs3 = seqs.astype(jnp.int32).reshape(B, 1, S)
    species32 = species.astype(jnp.int32)
    vocab_pad = jnp.concatenate(
        [vocab_emb, jnp.zeros((VPAD - V, D), vocab_emb.dtype)], axis=0
    )
    cat3 = cat_emb.reshape(cat_emb.shape[0], 1, D)

    species_emb = _species_sc(species32, cat_emb)

    total = pl.pallas_call(
        _body,
        grid_spec=pltpu.PrefetchScalarGridSpec(
            num_scalar_prefetch=1,
            grid=(B,),
            in_specs=[
                pl.BlockSpec((1, 1, S), lambda b, spe: (b, 0, 0)),
                pl.BlockSpec((VPAD, D), lambda b, spe: (0, 0)),
                pl.BlockSpec((1, 1, D), lambda b, spe: (spe[b], 0, 0)),
                pl.BlockSpec((S, D), lambda b, spe: (0, 0)),
            ],
            out_specs=pl.BlockSpec((1, S, D), lambda b, spe: (b, 0, 0)),
        ),
        out_shape=jax.ShapeDtypeStruct((B, S, D), jnp.float32),
        compiler_params=pltpu.CompilerParams(dimension_semantics=("arbitrary",)),
    )(species32, seqs3, vocab_pad, cat3, pos_emb)

    return (total, species_emb)

# --- scband reference (transcript-rebuilt; emitter-appended) ---
"""Pipeline reference for scband-input-bert-embedder-4681514352989 (READ-ONLY COPY).

The authoritative reference and input builder live on the scoring server;
editing this copy changes nothing except your own understanding.
"""

import jax, jax.numpy as jnp
import numpy as np

EMB_SIZE = 1024
NUM_CATEGORIES = 1000
SEQ_LEN = 2048
VOCAB_SIZE = 6
BATCH = 4


def setup_inputs(seed: int = 0) -> dict:
    key = jax.random.key(seed)
    k1, k2, k3, k4, k5 = jax.random.split(key, 5)
    seqs = jax.random.randint(k1, (BATCH, SEQ_LEN), 0, VOCAB_SIZE)
    species = jax.random.randint(k2, (BATCH,), 0, NUM_CATEGORIES)
    vocab_emb = jax.random.normal(k3, (VOCAB_SIZE, EMB_SIZE), dtype=jnp.float32)
    # padding_idx = VOCAB_SIZE - 2 is initialized to zero in torch
    vocab_emb = vocab_emb.at[VOCAB_SIZE - 2].set(0.0)
    cat_emb = jax.random.normal(k4, (NUM_CATEGORIES, EMB_SIZE), dtype=jnp.float32)
    pos_emb = jax.random.normal(k5, (SEQ_LEN, EMB_SIZE), dtype=jnp.float32)
    return {"seqs": seqs, "species": species, "vocab_emb": vocab_emb, "cat_emb": cat_emb, "pos_emb": pos_emb}


def reference(seqs, species, vocab_emb, cat_emb, pos_emb):
    # seq_emb = self.vocab_emb(seqs)
    seq_emb = jnp.take(vocab_emb, seqs, axis=0)          # [B, S, D]
    # species_emb = self.cat_emb(species)
    species_emb = jnp.take(cat_emb, species, axis=0)     # [B, D]
    # posit_emb = self.pos_emb.weight.repeat(B, 1, 1)
    posit_emb = jnp.broadcast_to(pos_emb[None, :, :], (seqs.shape[0],) + pos_emb.shape)  # [B, S, D]
    total_emb = seq_emb + species_emb[:, None, :] + posit_emb
    return (total_emb, species_emb)

if __name__ == "__main__":
    import jax
    _d = setup_inputs()
    print(jax.jit(kernel)(*tuple(_d.values())))

</pallas_src>

<mosaic_0001>
#map = affine_map<(d0, d1) -> (0)>
#map1 = affine_map<(d0, d1) -> (0, 0)>
module attributes {stable_mosaic.version = 14 : i64} {
  func.func @run(%arg0: i32, %arg1: i32, %arg2: memref<4xi32, #tpu.memory_space<hbm>>, %arg3: memref<1000x1024xf32, #tpu.memory_space<hbm>>, %arg4: memref<4x1024xf32, #tpu.memory_space<hbm>>, %arg5: memref<4xi32, #tpu.memory_space<vmem>>, %arg6: memref<4x1024xf32, #tpu.memory_space<vmem>>, %arg7: memref<!tpu.dma_semaphore, #tpu.memory_space<semaphore_mem>>) attributes {dimension_semantics = [#tpu.dimension_semantics<core_parallel>, #tpu.dimension_semantics<subcore_parallel>], iteration_bounds = array<i64: 1, 16>, scalar_prefetch = 0 : i64, scratch_operands = 3 : i64, tpu.core_type = #tpu.core_type<sc_vector_subcore>, window_params = [{transform_indices = #map}, {transform_indices = #map1}, {transform_indices = #map1}]} {
    %eq3A = arith.constant 0 : i32
    %eq3A_0 = arith.cmpi eq, %arg0, %eq3A : i32
    %eq3A_1 = arith.constant 0 : i32
    %eq3A_2 = arith.cmpi eq, %arg1, %eq3A_1 : i32
    %and3A = arith.andi %eq3A_0, %eq3A_2 : i1
    %convert_element_type3A = arith.extui %and3A : i1 to i32
    %cond3A = arith.constant 0 : i32
    %cond3A_3 = arith.cmpi ne, %convert_element_type3A, %cond3A : i32
    scf.if %cond3A_3 {
      "tpu.region"() ({
        %run_scoped3A = tpu.sem_alloc : memref<!tpu.dma_semaphore, #tpu.memory_space<semaphore_mem>>
        tpu.enqueue_dma source(%arg2 : memref<4xi32, #tpu.memory_space<hbm>>) target(%arg5 : memref<4xi32, #tpu.memory_space<vmem>>) target_semaphore(%run_scoped3A : memref<!tpu.dma_semaphore, #tpu.memory_space<semaphore_mem>>)
        tpu.wait_dma2 semaphore(%run_scoped3A : memref<!tpu.dma_semaphore, #tpu.memory_space<semaphore_mem>>) src(%arg2 : memref<4xi32, #tpu.memory_space<hbm>>) dst(%arg5 : memref<4xi32, #tpu.memory_space<vmem>>)
        tpu.yield
      }) : () -> ()
      %dma_start3A = arith.constant 0 : i32
      %dma_start3A_4 = arith.constant 0 : i32
      %dma_start3A_5 = tpu.memref_slice %arg3[%dma_start3A, %dma_start3A_4] : memref<1000x1024xf32, #tpu.memory_space<hbm>> -> memref<1000x1024xf32, #tpu.memory_space<hbm>>
      tpu.enqueue_indirect_dma source(%dma_start3A_5 : memref<1000x1024xf32, #tpu.memory_space<hbm>>) target(%arg6 : memref<4x1024xf32, #tpu.memory_space<vmem>>) offsets(%arg5 : memref<4xi32, #tpu.memory_space<vmem>>) semaphore(%arg7 : memref<!tpu.dma_semaphore, #tpu.memory_space<semaphore_mem>>)
      %dma_wait3A = arith.constant 0 : i32
      %dma_wait3A_6 = arith.constant 0 : i32
      %dma_wait3A_7 = tpu.memref_slice %arg3[%dma_wait3A, %dma_wait3A_6] : memref<1000x1024xf32, #tpu.memory_space<hbm>> -> memref<1000x1024xf32, #tpu.memory_space<hbm>>
      tpu.wait_indirect_dma semaphore(%arg7 : memref<!tpu.dma_semaphore, #tpu.memory_space<semaphore_mem>>) src(%dma_wait3A_7 : memref<1000x1024xf32, #tpu.memory_space<hbm>>) dst(%arg6 : memref<4x1024xf32, #tpu.memory_space<vmem>>)
      "tpu.region"() ({
        %run_scoped3A = tpu.sem_alloc : memref<!tpu.dma_semaphore, #tpu.memory_space<semaphore_mem>>
        tpu.enqueue_dma source(%arg6 : memref<4x1024xf32, #tpu.memory_space<vmem>>) target(%arg4 : memref<4x1024xf32, #tpu.memory_space<hbm>>) target_semaphore(%run_scoped3A : memref<!tpu.dma_semaphore, #tpu.memory_space<semaphore_mem>>)
        tpu.wait_dma2 semaphore(%run_scoped3A : memref<!tpu.dma_semaphore, #tpu.memory_space<semaphore_mem>>) src(%arg6 : memref<4x1024xf32, #tpu.memory_space<vmem>>) dst(%arg4 : memref<4x1024xf32, #tpu.memory_space<hbm>>)
        tpu.yield
      }) : () -> ()
    } else {
    }
    return
  }
}

module attributes {stable_mosaic.version = 14 : i64} {
  func.func @_body(%arg0: i32, %arg1: memref<4xi32, #tpu.memory_space<smem>>, %arg2: memref<1x1x2048xi32, #tpu.memory_space<vmem>>, %arg3: memref<8x1024xf32, #tpu.memory_space<vmem>>, %arg4: memref<1x1x1024xf32, #tpu.memory_space<vmem>>, %arg5: memref<2048x1024xf32, #tpu.memory_space<vmem>>, %arg6: memref<1x2048x1024xf32, #tpu.memory_space<vmem>>) attributes {dimension_semantics = [#tpu.dimension_semantics<arbitrary>], iteration_bounds = array<i64: 4>, scalar_prefetch = 1 : i64, scratch_operands = 0 : i64, tpu.core_type = #tpu.core_type<tc>, window_params = [{transform_indices = @transform_0, window_bounds = array<i64: 1, 1, 2048>}, {pipeline_mode = #tpu.pipeline_mode<synchronous>, transform_indices = @transform_1, window_bounds = array<i64: 8, 1024>}, {transform_indices = @transform_2, window_bounds = array<i64: 1, 1, 1024>}, {pipeline_mode = #tpu.pipeline_mode<synchronous>, transform_indices = @transform_3, window_bounds = array<i64: 2048, 1024>}, {transform_indices = @transform_4, window_bounds = array<i64: 1, 2048, 1024>}]} {
    %get3A = arith.constant 0 : index
    %get3A_0 = arith.constant 0 : index
    %get3A_1 = arith.constant 0 : index
    %get3A_2 = vector.load %arg2[%get3A, %get3A_0, %get3A_1] : memref<1x1x2048xi32, #tpu.memory_space<vmem>>, vector<1x1x2048xi32>
    %get3A_3 = vector.shape_cast %get3A_2 : vector<1x1x2048xi32> to vector<2048xi32>
    %iota3A = tpu.iota {dimensions = array<i32: 1>} : vector<2048x8xi32>
    %broadcast_in_dim3A = vector.shape_cast %get3A_3 : vector<2048xi32> to vector<2048x1xi32>
    %eq3A = vector.broadcast %broadcast_in_dim3A : vector<2048x1xi32> to vector<2048x8xi32>
    %eq3A_4 = arith.cmpi eq, %eq3A, %iota3A : vector<2048x8xi32>
    %convert_element_type3A = arith.extui %eq3A_4 : vector<2048x8xi1> to vector<2048x8xi32>
    %convert_element_type3A_5 = arith.sitofp %convert_element_type3A : vector<2048x8xi32> to vector<2048x8xf32>
    %get3A_6 = arith.constant 0 : index
    %get3A_7 = arith.constant 0 : index
    %get3A_8 = vector.load %arg3[%get3A_6, %get3A_7] : memref<8x1024xf32, #tpu.memory_space<vmem>>, vector<8x1024xf32>
    %dot_general3A = arith.constant dense<0.000000e+00> : vector<2048x1024xf32>
    %dot_general3A_9 = tpu.matmul %convert_element_type3A_5, %get3A_8, %dot_general3A {dimension_numbers = #tpu.dot_dimension_numbers<[1], [0], [0], [1], [0, 0, 1, 1], [], []>, transpose_lhs_hint = false} : vector<2048x8xf32>, vector<8x1024xf32>, vector<2048x1024xf32> -> vector<2048x1024xf32>
    %get3A_10 = arith.constant 0 : index
    %get3A_11 = arith.constant 0 : index
    %get3A_12 = arith.constant 0 : index
    %get3A_13 = vector.load %arg4[%get3A_10, %get3A_11, %get3A_12] : memref<1x1x1024xf32, #tpu.memory_space<vmem>>, vector<1x1x1024xf32>
    %get3A_14 = vector.shape_cast %get3A_13 : vector<1x1x1024xf32> to vector<1x1024xf32>
    %add3A = vector.broadcast %get3A_14 : vector<1x1024xf32> to vector<2048x1024xf32>
    %add3A_15 = arith.addf %dot_general3A_9, %add3A : vector<2048x1024xf32>
    %get3A_16 = arith.constant 0 : index
    %get3A_17 = arith.constant 0 : index
    %get3A_18 = vector.load %arg5[%get3A_16, %get3A_17] : memref<2048x1024xf32, #tpu.memory_space<vmem>>, vector<2048x1024xf32>
    %add3A_19 = arith.addf %add3A_15, %get3A_18 : vector<2048x1024xf32>
    %broadcast_in_dim3A_20 = vector.shape_cast %add3A_19 : vector<2048x1024xf32> to vector<1x2048x1024xf32>
    %swap3A = arith.constant 0 : index
    %swap3A_21 = arith.constant 0 : index
    %swap3A_22 = arith.constant 0 : index
    %swap3A_23 = vector.load %arg6[%swap3A, %swap3A_21, %swap3A_22] : memref<1x2048x1024xf32, #tpu.memory_space<vmem>>, vector<1x2048x1024xf32>
    tpu.vector_store %arg6[%swap3A, %swap3A_21, %swap3A_22], %broadcast_in_dim3A_20 {strides = array<i32>} : memref<1x2048x1024xf32, #tpu.memory_space<vmem>>, vector<1x2048x1024xf32>,
    return
  }
  func.func @transform_0(%arg0: i32, %arg1: memref<4xi32, #tpu.memory_space<smem>>) -> (i32, i32, i32) {
    %c0_i32 = arith.constant 0 : i32
    %c0_i32_0 = arith.constant 0 : i32
    %c0_i32_1 = arith.constant 0 : i32
    return %arg0, %c0_i32, %c0_i32_0 : i32, i32, i32
  }
  func.func @transform_1(%arg0: i32, %arg1: memref<4xi32, #tpu.memory_space<smem>>) -> (i32, i32) {
    %c0_i32 = arith.constant 0 : i32
    %c0_i32_0 = arith.constant 0 : i32
    %c0_i32_1 = arith.constant 0 : i32
    return %c0_i32, %c0_i32_0 : i32, i32
  }
  func.func @transform_2(%arg0: i32, %arg1: memref<4xi32, #tpu.memory_space<smem>>) -> (i32, i32, i32) {
    %get3A = arith.index_cast %arg0 : i32 to index
    %get3A_0 = memref.load %arg1[%get3A] : memref<4xi32, #tpu.memory_space<smem>>
    %c0_i32 = arith.constant 0 : i32
    %c0_i32_1 = arith.constant 0 : i32
    %c0_i32_2 = arith.constant 0 : i32
    return %get3A_0, %c0_i32, %c0_i32_1 : i32, i32, i32
  }
  func.func @transform_3(%arg0: i32, %arg1: memref<4xi32, #tpu.memory_space<smem>>) -> (i32, i32) {
    %c0_i32 = arith.constant 0 : i32
    %c0_i32_0 = arith.constant 0 : i32
    %c0_i32_1 = arith.constant 0 : i32
    return %c0_i32, %c0_i32_0 : i32, i32
  }
  func.func @transform_4(%arg0: i32, %arg1: memref<4xi32, #tpu.memory_space<smem>>) -> (i32, i32, i32) {
    %c0_i32 = arith.constant 0 : i32
    %c0_i32_0 = arith.constant 0 : i32
    %c0_i32_1 = arith.constant 0 : i32
    return %arg0, %c0_i32, %c0_i32_0 : i32, i32, i32
  }
}

</mosaic_0001>

<sc_bundles>
// kernel: kernel.4.cloned.1.call-start
scs
__scs_entry_jumppad:
0x0: {  	(pc) =	sbr.rel $0x88, $3  }
0x1: {  	(tag) =	ssettag $0x0;
	lr =	simm.s32 $0x1  }
0x2: {  	[smem:$0x3F9C] =	sst lr;
	_ =	strace $0xD0000000  }
0x3: {  	_ = 	snop  }
0x4: {  	_ = 	snop  }
0x5: {  	_ = 	snop  }
0x6: {  	_ = 	snop  }
0x7: {  	_ = 	snop  }
__scs_overlays_trampoline_lowered:
0x8: {  	[smem:$0x3FAB] =	sst s0  }
0x9: {  	[smem:$0x3FAC] =	sst s1  }
0xa: {  	[smem:$0x3FAD] =	sst s2  }
0xb: {  	[smem:$0x3FAE] =	sst s3  }
0xc: {  	[smem:$0x3FAF] =	sst s4  }
0xd: {  	[smem:$0x3FB0] =	sst s5  }
0xe: {  	[smem:$0x3FB1] =	sst s6  }
0xf: {  	[smem:$0x3FB2] =	sst s7  }
0x10: {  	[smem:$0x3FB3] =	sst s8  }
0x11: {  	[smem:$0x3FB4] =	sst s9;
	s0 =	simm.s32 @!p0 $0x0  }
0x12: {  	s1 =	sld [smem:$0x3F9A];
	s0 =	simm.s32 @p0 $0x1  }
0x13: {  	[smem:$0x3FB5] =	sst s0;
	s0 =	simm.s32 @!p1 $0x0  }
0x14: {  	s2 =	sld [smem:$0x3F99];
	s0 =	simm.s32 @p1 $0x1  }
0x15: {  	[smem:$0x3FB6] =	sst s0;
	s0 =	simm.s32 @!p2 $0x0  }
0x16: {  	s3 =	sld [smem:$0x3FDB];
	s0 =	simm.s32 @p2 $0x1  }
0x17: {  	s4 =	simm.s32 $0x1BF5;
	[smem:$0x3FB8] =	sst s0  }
0x18: {  	s0 =	sld [smem:$0x3F9B];
	_ =	swait.ge [sflag:s4], $0x0  }
0x19: {  	s7 =	sld [smem:$0x3F9C]  }
0x1a: {  	s8 =	sadd.s32 $0xFFFFE003, lr  }
0x1b: {  	s9 =	sadd.s32 $0xFFFFFEF7, lr;
	s5 =	simm.s32 $0xFFFFFFFF;
	p2 =	slt.u32 s8, $0xFFFFF086  }
0x1c: {  	p1 =	slt.u32 s9, $0xF7A;
	s5 =	simm.s32 @!p2 $0x0  }
0x1d: {  	s5 =	simm.s32 @p1 $0x1;
	p0 =	seq.s32 s7, s2  }
0x1e: {  	s7 =	smul.u32 @!p0 $0xF7A, s2;
	p2 =	seq.s32 @!p0 s5, $0x0  }
0x1f: {  	s9 =	smul.u32 $0xF7A, s1;
	s8 =	simm.s32 @!p0 $0x1BF5;
	p2 =	por !p2, p0  }
0x20: {  	[sflag:s8] =	ssyncset.s32 @!p0 $0xFFFFF086;
	s6 =	sadd.s32 @!p0 s3, s7;
	s7 =	simm.s32 @!p0 $0x108  }
0x21: {  	s3 =	sadd.s32 s3, s9;
	s6 =	sadd.s32 @!p0 $0x88, s6;
	s7 =	simm.s32 @p2 $0x1082  }
0x22: {  	[simem:s7], [sflag:s8] =	dma.local @!p0 [hbm:s6], $0xF7A  }
0x23: {  	s9 =	sor.u32 $0xD0000000, s2;
	s6 =	simm.s32 $0x108;
	_ =	swait.ge @!p0 [sflag:s8], $0x0  }
0x24: {  	s3 =	sadd.s32 $0x88, s3;
	s6 =	simm.s32 @!p1 $0x1082;
	[sflag:s4] =	ssyncset.s32 $0xFFFFF086  }
0x25: {  	[simem:s6], [sflag:s4] =	dma.local [hbm:s3], $0xF7A  }
0x26: {  	[smem:$0x3F9C] =	sst s1;
	(tag) =	ssettag s2;
	_ =	strace s9  }
0x27: {  	s1 =	sld [smem:$0x3FAC]  }
0x28: {  	s2 =	sld [smem:$0x3FAD]  }
0x29: {  	s4 =	sld [smem:$0x3FAF]  }
0x2a: {  	p0 =	seq.s32 s5, $0x0;
	s5 =	sld [smem:$0x3FB0]  }
0x2b: {  	s6 =	sld [smem:$0x3FB1]  }
0x2c: {  	s7 =	sld [smem:$0x3FB2]  }
0x2d: {  	s3 =	simm.s32 $0x108;
	s8 =	sld [smem:$0x3FB3]  }
0x2e: {  	s3 =	simm.s32 @!p0 $0x1082;
	s9 =	sld [smem:$0x3FB4]  }
0x2f: {  	lr =	sadd.s32 s0, s3;
	s0 =	sld [smem:$0x3FAB]  }
0x30: {  	s3 =	sld [smem:$0x3FAE]  }
0x31: {  	[smem:$0x3FB7] =	sst s10  }
0x32: {  	s10 =	sld [smem:$0x3FB5];
	_ =	sdelay $0x3  }
0x33: {  	p0 =	seq.s32 s10, $0x1;
	s10 =	sld [smem:$0x3FB7];
	_ =	sdelay $0x3  }
0x34: {  	[smem:$0x3FB7] =	sst s10  }
0x35: {  	s10 =	sld [smem:$0x3FB6];
	_ =	sdelay $0x3  }
0x36: {  	p1 =	seq.s32 s10, $0x1;
	s10 =	sld [smem:$0x3FB7];
	_ =	sdelay $0x3  }
0x37: {  	[smem:$0x3FB7] =	sst s10  }
0x38: {  	s10 =	sld [smem:$0x3FB8]  }
0x39: {  	_ = 	snop;
	(pc) =	sbr.ind lr, $3  }
0x3a: {  	_ = 	snop  }
0x3b: {  	_ = 	snop  }
0x3c: {  	p2 =	seq.s32 s10, $0x1;
	s10 =	sld [smem:$0x3FB7]  }
0x3d: {  	_ =	shalt  }
0x3e: {  	_ =	shalt  }
0x3f: {  	_ =	shalt  }
0x40: {  	_ =	shalt  }
0x41: {  	_ =	shalt  }
0x42: {  	_ =	shalt  }
0x43: {  	_ =	shalt  }
0x44: {  	_ =	shalt  }
0x45: {  	_ =	shalt  }
0x46: {  	_ =	shalt  }
0x47: {  	_ =	shalt  }
0x48: {  	_ =	shalt  }
0x49: {  	_ =	shalt  }
0x4a: {  	_ =	shalt  }
0x4b: {  	_ =	shalt  }
0x4c: {  	_ =	shalt  }
0x4d: {  	_ =	shalt  }
0x4e: {  	_ =	shalt  }
0x4f: {  	_ =	shalt  }
0x50: {  	_ =	shalt  }
0x51: {  	_ =	shalt  }
0x52: {  	_ =	shalt  }
0x53: {  	_ =	shalt  }
0x54: {  	_ =	shalt  }
0x55: {  	_ =	shalt  }
0x56: {  	_ =	shalt  }
0x57: {  	_ =	shalt  }
0x58: {  	_ =	shalt  }
0x59: {  	_ =	shalt  }
0x5a: {  	_ =	shalt  }
0x5b: {  	_ =	shalt  }
0x5c: {  	_ =	shalt  }
0x5d: {  	_ =	shalt  }
0x5e: {  	_ =	shalt  }
0x5f: {  	_ =	shalt  }
0x60: {  	_ =	shalt  }
0x61: {  	_ =	shalt  }
0x62: {  	_ =	shalt  }
0x63: {  	_ =	shalt  }
0x64: {  	_ =	shalt  }
0x65: {  	_ =	shalt  }
0x66: {  	_ =	shalt  }
0x67: {  	_ =	shalt  }
0x68: {  	_ =	shalt  }
0x69: {  	_ =	shalt  }
0x6a: {  	_ =	shalt  }
0x6b: {  	_ =	shalt  }
0x6c: {  	_ =	shalt  }
0x6d: {  	_ =	shalt  }
0x6e: {  	_ =	shalt  }
0x6f: {  	_ =	shalt  }
0x70: {  	_ =	shalt  }
0x71: {  	_ =	shalt  }
0x72: {  	_ =	shalt  }
0x73: {  	_ =	shalt  }
0x74: {  	_ =	shalt  }
0x75: {  	_ =	shalt  }
0x76: {  	_ =	shalt  }
0x77: {  	_ =	shalt  }
0x78: {  	_ =	shalt  }
0x79: {  	_ =	shalt  }
0x7a: {  	_ =	shalt  }
0x7b: {  	_ =	shalt  }
0x7c: {  	_ =	shalt  }
0x7d: {  	_ =	shalt  }
0x7e: {  	_ =	shalt  }
0x7f: {  	_ =	shalt  }
0x80: {  	_ =	shalt  }
0x81: {  	_ =	shalt  }
0x82: {  	_ =	shalt  }
0x83: {  	_ =	shalt  }
0x84: {  	_ =	shalt  }
0x85: {  	_ =	shalt  }
0x86: {  	_ =	shalt  }
0x87: {  	_ =	shalt  }
.Lfunc_end0:
.L_simem_size_0:
called_computation_lowered:
.L_overlay_start_0:
0x88: {  	s0 =	sld [smem:$0x3FD9]  }
0x89: {  	s1 =	sld [smem:$0x3FFE];
	_ =	sdelay $0x3  }
0x8a: {  	s0 =	sadd.s32 s1, s0  }
0x8b: {  	[smem:$0x3FC3] =	sst s0  }
0x8c: {  	_ = 	snop  }
0x8d: {  	s0 =	sld [smem:$0x3FD0];
	_ =	sdelay $0x1  }
0x8e: {  	s14 =	sld [smem:$0x3FC8]  }
0x8f: {  	s3 =	simm.s32 $0xA;
	s4 =	simm.s32 $0x10;
	s2 =	sld [smem:$0x3FC6]  }
0x90: {  	[smem:s4], [sflag:s3] =	dma.local [hbm:s0], $0x1  }
0x91: {  	_ =	swait.eq [sflag:s3], $0x1  }
0x92: {  	[sflag:s3] =	ssyncset.done $0x0  }
0x93: {  	[sflag:s3] =	ssyncadd.s32 $0xFFFFFFFF  }
0x94: {  	s15 =	sld [smem:$0x11];
	(tm) =	ssettm $0x1  }
0x95: {  	s16 =	sld [smem:$0x3FFB];
	_ =	sdelay $0x3  }
0x96: {  	_ =	strace s16  }
0x97: {  	s3 =	sld [smem:$0x3FFC];
	_ =	sdelay $0x3  }
0x98: {  	_ =	strace s3  }
0x99: {  	s3 =	sld [smem:$0x3FFD];
	_ =	sdelay $0x3  }
0x9a: {  	_ =	strace s3  }
0x9b: {  	_ =	strace $0x8FFFFFFF  }
0x9c: {  	s17 =	sld [smem:$0x3FDB];
	_ =	sdelay $0x1  }
0x9d: {  	s18 =	simm.s32 $_scs_section_size  }
0x9e: {  	s5 =	simm.s32 $_size__tile_overlayer_lowered;
	s6 =	simm.s32 $_tile_overlayer_lowered  }
0x9f: {  	s21 =	simm.s32 $0x1BFF;
	s20 =	sshll.u32 s6, $0x1;
	s3 =	sadd.s32 s18, s17  }
0xa0: {  	s7 =	simm.s32 $0x0;
	s19 =	sshll.u32 s5, $0x1;
	s5 =	sadd.s32 s20, s3  }
0xa1: {  	[timem:s7], [sflag:s21] =	dma.local [hbm:s5], s19  }
0xa2: {  	_ =	swait.ge [sflag:s21], s19  }
0xa3: {  	s4 =	ssub.s32 $0x0, s19;
	[sflag:s21] =	ssyncset.done $0x0  }
0xa4: {  	[sflag:s21] =	ssyncadd.s32 s4;
	_ =	sdelay $0x1  }
0xa5: {  	s22 =	simm.s32 $0x1B8B  }
0xa6: {  	_ =	swait.ge [sflag:s22], $0x1  }
0xa7: {  	[sflag:s22] =	ssyncset.done $0x0  }
0xa8: {  	s23 =	simm.s32 $0x1B8E;
	[sflag:s22] =	ssyncadd.s32 $0xFFFFFFFF  }
0xa9: {  	s24 =	simm.s32 $execute0_lowered;
	[smem:$0x3FD2] =	sst s23  }
0xaa: {  	s4 =	sshll.u32 s24, $0x1;
	_ =	strace $0x80000046;
	[dreg:$0x1] =	wrdreg $0xFFFFFFFF  }
0xab: {  	s25 =	simm.s32 $_size_execute0_lowered;
	s3 =	sadd.s32 s3, s4;
	[dreg:$0x0] =	wrdreg $0x0  }
0xac: {  	s4 =	sshll.u32 s25, $0x1;
	[dreg:$0x2] =	wrdreg s3  }
0xad: {  	[dreg:$0x3] =	wrdreg s4  }
0xae: {  	[dreg:$0x4] =	wrdreg $0xC0  }
0xaf: {  	_ =	task [dreg:s7], $0x5FFFF  }
0xb0: {  	[dreg:$0x1] =	wrdreg $0xFFFFFFFF  }
0xb1: {  	[dreg:$0x0] =	wrdreg $0x60  }
0xb2: {  	[dreg:$0x2] =	wrdreg s14  }
0xb3: {  	[dreg:$0x3] =	wrdreg s2  }
0xb4: {  	[dreg:$0x4] =	wrdreg s15  }
0xb5: {  	[dreg:$0x5] =	wrdreg $0x9  }
0xb6: {  	_ =	task.clear_ibuf [dreg:s7], $0x6FFFF;
	_ =	strace $0x90000046  }
0xb7: {  	s26 =	simm.s32 $0x9;
	_ =	strace $0x80000048  }
0xb8: {  	_ =	swait.ge [sflag:s26], $0x1  }
0xb9: {  	[sflag:s26] =	ssyncadd.s32 $0xFFFFFFFF  }
0xba: {  	_ =	strace $0x90000048  }
0xbb: {  	_ =	sfence  }
0xbc: {  	s28 =	sld [smem:$0x0];
	_ =	sdelay $0x1  }
0xbd: {  	s29 =	srdreg.scid  }
0xbe: {  	s30 =	sshll.u32 s29, $0xD;
	s31 =	sshrl.u32 s29, $0x2  }
0xbf: {  	s1 =	sand.u32 $0x1, s29;
	s2 =	sand.u32 $0x4000, s30;
	s0 =	sadd.s32 s31, s28  }
0xc0: {  	s1 =	sor.u32 s2, s1;
	s0 =	sshll.u32 s0, $0x11  }
0xc1: {  	s0 =	sor.u32 s0, s1  }
0xc2: {  	s0 =	sadd.s32 $0x8F2B, s0  }
0xc3: {  	[sflag:s0] =	ssyncadd.remote.s32 $0x1  }
0xc4: {  	_ =	sfence.sel $0xFFFF  }
0xc5: {  	[dreg:$0x0] =	wrdreg $0xFFFFFFFF;
	(pc) =	sbr.abs _section_cstart, $3  }
0xc6: {  	[dreg:$0x1] =	wrdreg $0xFFFFFFFF  }
0xc7: {  	_ =	task.clear_ibuf [dreg:s7], $0x2FFFF;
	_ =	strace $0x9FFFFFFF  }
0xc8: {  	(tm) =	ssettm $0x7FFFFFFF  }
0xc9: {  	_ =	shalt  }
tec
execute0_lowered:
.L_overlay_start_1:
0x0: {  	(tag) =	ssettag $0x1  }
0x1: {  	s0 =	rddreg [dreg:$0x0]  }
0x2: {  	s1 =	rddreg [dreg:$0x1]  }
0x3: {  	s2 =	rddreg [dreg:$0x2];
	s4 =	stileid.u32  }
0x4: {  	s3 =	rddreg [dreg:$0x3];
	_ =	strace $0x80000047;
	p0 =	sne.s32 s4, $0x0  }
0x5: {  	_ =	sfence.sel @p0 $0x180000  }
0x6: {  	[bflag:$0x0] =	sbarrier.arrive @p0 $0xFFFF  }
0x7: {  	_ =	strace @p0 $0x90000047  }
0x8: {  	s4 =	simm.s32 @!p0 $0x0;
	[bflag:$0x2] =	sbarrier.arrive @p0 $0xFFFF  }
0x9: {  	[tilespmem:s4], [sflag:$0x2] =	stream.linear.gather @!p0 [hbm4b:s0+s4], $0x80, $0x38;
	[tilespmem:$0x1080] =	vst v63  }
0xa: {  	s0 =	simm.s32 @!p0 $0x2  }
0xb: {  	_ =	swait.ge @!p0 [sflag:s0], $0x80  }
0xc: {  	[sflag:s0] =	ssyncset.done @!p0 $0x0  }
0xd: {  	[sflag:s0] =	ssyncadd.s32 @!p0 $0xFFFFFF80  }
0xe: {  	v0 =	vld.msk @!p0 [tilespmem:$0x0], $0xf;
	_ =	sdelay $0x4  }
0xf: {  	v1 =	vshll.u32 @!p0 v0, $0x3  }
0x10: {  	v2 =	vlaneseq.u32 @!p0;
	v0 =	vand.u32 @!p0 $0x7, v0;
	v1 =	vand.u32 @!p0 $0xFFFFFFC0, v1  }
0x11: {  	v0 =	vor.u32 @!p0 v0, v1;
	v1 =	vand.u32 @!p0 $0x3, v2;
	v2 =	vshrl.u32 @!p0 v2, $0x2  }
0x12: {  	v0 =	vperm.xlane @!p0 v0, v1;
	v1 =	vmul.u32 @!p0 $0x8, v2;
	_ =	sdelay $0x1  }
0x13: {  	v0 =	vadd.s32 @!p0 v1, v0;
	_ =	sdelay $0x3  }
0x14: {  	vm0 =	vmmov @!p0 $0xffff;
	s5 =	simm.s32 @!p0 $0x80  }
0x15: {  	[tilespmem:s5], [sflag:$0x1] =	stream.indirect_vreg.gather @!p0 [hbm4b:s1+s4], $0x80, v0, vm0, $0xb8;
	[tilespmem:$0x1080] =	vst v63  }
0x16: {  	s6 =	simm.s32 @!p0 $0x880;
	s1 =	sadd.s32 @!p0 $0x200, s1  }
0x17: {  	[tilespmem:s6], [sflag:$0x1] =	stream.indirect_vreg.gather @!p0 [hbm4b:s1+s4], $0x80, v0, vm0, $0xb8;
	[tilespmem:$0x1080] =	vst v63  }
0x18: {  	s1 =	simm.s32 @!p0 $0x1  }
0x19: {  	_ =	swait.ge @!p0 [sflag:s1], $0x1000  }
0x1a: {  	[sflag:s1] =	ssyncset.done @!p0 $0x0  }
0x1b: {  	[sflag:s1] =	ssyncadd.s32 @!p0 $0xFFFFF000  }
0x1c: {  	[hbm4b:s2+s4] =	stream.linear.scatter @!p0 [tilespmem:s5], [sflag:$0x2], $0x1000, $0x38;
	[tilespmem:$0x1080] =	vst v63  }
0x1d: {  	_ =	swait.ge @!p0 [sflag:s0], $0x1000  }
0x1e: {  	[sflag:s0] =	ssyncset.done @!p0 $0x0  }
0x1f: {  	[sflag:s0] =	ssyncadd.s32 @!p0 $0xFFFFF000  }
0x20: {  	_ =	sfence.sel @!p0 $0x180000  }
0x21: {  	[bflag:$0x0] =	sbarrier.arrive @!p0 $0xFFFF  }
0x22: {  	_ =	strace @!p0 $0x90000047  }
0x23: {  	s0 =	sadd.s32 @!p0 $0x100000, s3;
	[bflag:$0x2] =	sbarrier.arrive @!p0 $0xFFFF  }
0x24: {  	[sflag:s0] =	ssyncadd.tile.s32 @!p0 $0x1;
	_ =	shalt  }
.Lfunc_end2:
_tile_overlayer_lowered:
.L_overlay_start_2:
0x25: {  	(tag) =	ssettag $0x2  }
0x26: {  	s0 =	rddreg [dreg:$0x0];
	s2 =	stileid.u32  }
0x27: {  	s1 =	rddreg [dreg:$0x1];
	p0 =	sne.s32 s2, $0x0  }
0x28: {  	s3 =	rddreg [dreg:$0x2];
	[bflag:$0x3] =	sbarrier.arrive $0xFFFF;
	s2 =	simm.s32 @!p0 $0x1C02  }
0x29: {  	[timem:s3], [sflag:s2] =	dma.local @!p0 [hbm:s0], s1  }
0x2a: {  	s0 =	simm.s32 @!p0 $0x2  }
0x2b: {  	_ =	swait.ge @!p0 [sflag:s0], s1  }
0x2c: {  	s1 =	ssub.s32 @!p0 $0x0, s1;
	[sflag:s0] =	ssyncset.done @!p0 $0x0  }
0x2d: {  	[sflag:s0] =	ssyncadd.s32 @!p0 s1  }
0x2e: {  	[bflag:$0x3] =	sbarrier.arrive $0xFFFF  }
0x2f: {  	_ =	shalt  }

</sc_bundles>
